<compile_context>
chip_gen: v7x
topology: tpu7x:2x2x1
jax: 0.10.2.dev20260603
libtpu: 0.0.44.dev20260713+nightly
codegen_flags: <defaults>
</compile_context>

<pallas_src>
import functools

import jax
import jax.numpy as jnp
from jax import lax
from jax.experimental import pallas as pl
from jax.experimental.pallas import tpu as pltpu
from jax.experimental.pallas import tpu_sc as plsc

N = 16384
L = 16
NT = 16
ROWS = N // NT
CHUNKS = ROWS // L

_mesh = plsc.VectorSubcoreMesh(
    core_axis_name="c", subcore_axis_name="s", num_cores=1)


@functools.partial(
    pl.kernel,
    mesh=_mesh,
    out_type=jax.ShapeDtypeStruct((L,), jnp.float32),
    compiler_params=pltpu.CompilerParams(needs_layout_passes=False),
    scratch_types=[
        pltpu.VMEM((2 * ROWS,), jnp.float32),
        pltpu.VMEM((ROWS,), jnp.int32),
        pltpu.VMEM((3 * L,), jnp.float32),
        pltpu.VMEM((NT * 3 * L,), jnp.float32),
        pltpu.VMEM_SHARED((NT * 3 * L,), jnp.float32),
        pltpu.VMEM((L,), jnp.float32),
        pltpu.SemaphoreType.DMA,
        pltpu.SemaphoreType.DMA,
    ],
)
def _diffdp(y_hbm, s_hbm, out_hbm, y_v, s_v, part_v, stage_v, shared, res_v,
            sem_y, sem_s):
    tid = lax.axis_index("s")
    base = tid * ROWS
    y_cp = pltpu.async_copy(y_hbm.at[pl.ds(2 * base, 2 * ROWS)], y_v, sem_y)
    s_cp = pltpu.async_copy(s_hbm.at[pl.ds(base, ROWS)], s_v, sem_s)
    s_cp.wait()
    y_cp.wait()

    zf = jnp.zeros((L,), jnp.float32)

    @plsc.parallel_loop(0, CHUNKS, carry=(zf, zf, zf), unroll=4)
    def acc(i, carry):
        acc_y, acc_ys, acc_s = carry
        off = L * i + 128 * (i // 8) + 128
        yv = y_v[pl.ds(off, L)]
        sv = s_v[pl.ds(i * L, L)].astype(jnp.float32)
        return acc_y + yv, acc_ys + yv * sv, acc_s + sv

    acc_y, acc_ys, acc_s = acc
    part_v[pl.ds(0, L)] = acc_y
    part_v[pl.ds(L, L)] = acc_ys
    part_v[pl.ds(2 * L, L)] = acc_s
    pltpu.sync_copy(part_v, shared.at[pl.ds(tid * 3 * L, 3 * L)])
    plsc.subcore_barrier()

    @pl.when(tid == 0)
    def _():
        pltpu.sync_copy(shared, stage_v)

        def comb(k, carry):
            a_y, a_ys, a_s = carry
            o = k * 3 * L
            return (a_y + stage_v[pl.ds(o, L)],
                    a_ys + stage_v[pl.ds(o + L, L)],
                    a_s + stage_v[pl.ds(o + 2 * L, L)])

        a_y, a_ys, a_s = lax.fori_loop(0, NT, comb, (zf, zf, zf))
        tot_y = jnp.full((L,), jnp.sum(a_y), jnp.float32)
        tot_ys = jnp.full((L,), jnp.sum(a_ys), jnp.float32)
        cnt1 = jnp.full((L,), jnp.sum(a_s), jnp.float32)
        mean1 = tot_ys / cnt1
        mean0 = (tot_y - tot_ys) / (jnp.float32(N) - cnt1)
        res_v[...] = jnp.abs(mean0 - mean1)
        pltpu.sync_copy(res_v, out_hbm)


def kernel(y_pred, s):
    y_flat = jnp.transpose(y_pred.reshape(N // 128, 128, 2), (0, 2, 1)).reshape(-1)
    out = _diffdp(y_flat, s.astype(jnp.int32))
    return out[0]

# --- scband reference (transcript-rebuilt; emitter-appended) ---
"""Pipeline reference for scband-diff-dp-14439680049197 (READ-ONLY COPY).

The authoritative reference and input builder live on the scoring server;
editing this copy changes nothing except your own understanding.
"""

import jax, jax.numpy as jnp
import numpy as np


def setup_inputs(seed: int = 0) -> dict:
    key = jax.random.key(seed)
    k1, k2 = jax.random.split(key)
    y_pred = jax.random.normal(k1, (16384, 2), dtype=jnp.float32)
    s = jax.random.randint(k2, (16384,), 0, 2, dtype=jnp.int64)
    return {"y_pred": y_pred, "s": s}


def reference(y_pred, s):
    # num_classes == 2 -> take positive-class column
    y = y_pred[:, 1].reshape(-1)
    s_flat = s.reshape(-1)
    m0 = (s_flat == 0)
    m1 = (s_flat == 1)
    # masked means (equivalent to torch mean over boolean-indexed subsets)
    sum0 = jnp.sum(jnp.where(m0, y, 0.0))
    cnt0 = jnp.sum(m0.astype(y.dtype))
    sum1 = jnp.sum(jnp.where(m1, y, 0.0))
    cnt1 = jnp.sum(m1.astype(y.dtype))
    mean0 = sum0 / cnt0
    mean1 = sum1 / cnt1
    reg_loss = jnp.abs(mean0 - mean1)
    return reg_loss

if __name__ == "__main__":
    import jax
    _d = setup_inputs()
    print(jax.jit(kernel)(*tuple(_d.values())))

</pallas_src>

<mosaic_0001>
#map = affine_map<(d0, d1) -> (0)>
module attributes {stable_mosaic.version = 14 : i64} {
  func.func @_diffdp(%arg0: i32, %arg1: i32, %arg2: memref<32768xf32, #tpu.memory_space<hbm>>, %arg3: memref<16384xi32, #tpu.memory_space<hbm>>, %arg4: memref<16xf32, #tpu.memory_space<hbm>>, %arg5: memref<2048xf32, #tpu.memory_space<vmem>>, %arg6: memref<1024xi32, #tpu.memory_space<vmem>>, %arg7: memref<48xf32, #tpu.memory_space<vmem>>, %arg8: memref<768xf32, #tpu.memory_space<vmem>>, %arg9: memref<768xf32, #tpu.memory_space<vmem_shared>>, %arg10: memref<16xf32, #tpu.memory_space<vmem>>, %arg11: memref<!tpu.dma_semaphore, #tpu.memory_space<semaphore_mem>>, %arg12: memref<!tpu.dma_semaphore, #tpu.memory_space<semaphore_mem>>) attributes {dimension_semantics = [#tpu.dimension_semantics<core_parallel>, #tpu.dimension_semantics<subcore_parallel>], iteration_bounds = array<i64: 1, 16>, scalar_prefetch = 0 : i64, scratch_operands = 8 : i64, tpu.core_type = #tpu.core_type<sc_vector_subcore>, window_params = [{transform_indices = #map}, {transform_indices = #map}, {transform_indices = #map}]} {
    %mul3A = arith.constant 1024 : i32
    %mul3A_0 = arith.muli %arg1, %mul3A : i32
    %mul3A_1 = arith.constant 2 : i32
    %mul3A_2 = arith.muli %mul3A_1, %mul3A_0 : i32
    %dma_start3A = tpu.memref_slice %arg2[%mul3A_2] : memref<32768xf32, #tpu.memory_space<hbm>> -> memref<2048xf32, #tpu.memory_space<hbm>>
    %dma_start3A_3 = tpu.memref_slice %arg2[%mul3A_2] : memref<32768xf32, #tpu.memory_space<hbm>> -> memref<2048xf32, #tpu.memory_space<hbm>>
    tpu.enqueue_dma source(%dma_start3A_3 : memref<2048xf32, #tpu.memory_space<hbm>>) target(%arg5 : memref<2048xf32, #tpu.memory_space<vmem>>) target_semaphore(%arg11 : memref<!tpu.dma_semaphore, #tpu.memory_space<semaphore_mem>>)
    %dma_start3A_4 = tpu.memref_slice %arg3[%mul3A_0] : memref<16384xi32, #tpu.memory_space<hbm>> -> memref<1024xi32, #tpu.memory_space<hbm>>
    %dma_start3A_5 = tpu.memref_slice %arg3[%mul3A_0] : memref<16384xi32, #tpu.memory_space<hbm>> -> memref<1024xi32, #tpu.memory_space<hbm>>
    tpu.enqueue_dma source(%dma_start3A_5 : memref<1024xi32, #tpu.memory_space<hbm>>) target(%arg6 : memref<1024xi32, #tpu.memory_space<vmem>>) target_semaphore(%arg12 : memref<!tpu.dma_semaphore, #tpu.memory_space<semaphore_mem>>)
    %dma_wait3A = tpu.memref_slice %arg3[%mul3A_0] : memref<16384xi32, #tpu.memory_space<hbm>> -> memref<1024xi32, #tpu.memory_space<hbm>>
    %dma_wait3A_6 = tpu.memref_slice %arg3[%mul3A_0] : memref<16384xi32, #tpu.memory_space<hbm>> -> memref<1024xi32, #tpu.memory_space<hbm>>
    tpu.wait_dma2 semaphore(%arg12 : memref<!tpu.dma_semaphore, #tpu.memory_space<semaphore_mem>>) src(%dma_wait3A_6 : memref<1024xi32, #tpu.memory_space<hbm>>) dst(%arg6 : memref<1024xi32, #tpu.memory_space<vmem>>)
    %dma_wait3A_7 = tpu.memref_slice %arg2[%mul3A_2] : memref<32768xf32, #tpu.memory_space<hbm>> -> memref<2048xf32, #tpu.memory_space<hbm>>
    %dma_wait3A_8 = tpu.memref_slice %arg2[%mul3A_2] : memref<32768xf32, #tpu.memory_space<hbm>> -> memref<2048xf32, #tpu.memory_space<hbm>>
    tpu.wait_dma2 semaphore(%arg11 : memref<!tpu.dma_semaphore, #tpu.memory_space<semaphore_mem>>) src(%dma_wait3A_8 : memref<2048xf32, #tpu.memory_space<hbm>>) dst(%arg5 : memref<2048xf32, #tpu.memory_space<vmem>>)
    %broadcast_in_dim3A = arith.constant 0.000000e+00 : f32
    %broadcast_in_dim3A_9 = vector.broadcast %broadcast_in_dim3A : f32 to vector<16xf32>
    %parallel_loop3A = arith.constant 0 : i32
    %parallel_loop3A_10 = arith.constant 64 : i32
    %parallel_loop3A_11 = arith.constant 1 : i32
    %parallel_loop3A_12:3 = scf.for %parallel_loop3A_24 = %parallel_loop3A to %parallel_loop3A_10 step %parallel_loop3A_11 iter_args(%parallel_loop3A_25 = %broadcast_in_dim3A_9, %parallel_loop3A_26 = %broadcast_in_dim3A_9, %parallel_loop3A_27 = %broadcast_in_dim3A_9) -> (vector<16xf32>, vector<16xf32>, vector<16xf32>)  : i32 {
      %parallel_loop3A_28 = arith.constant 16 : i32
      %parallel_loop3A_29 = arith.muli %parallel_loop3A_28, %parallel_loop3A_24 : i32
      %parallel_loop3A_30 = arith.constant 8 : i32
      %parallel_loop3A_31 = arith.divsi %parallel_loop3A_24, %parallel_loop3A_30 : i32
      %parallel_loop3A_32 = arith.constant 0 : i32
      %parallel_loop3A_33 = arith.cmpi sgt, %parallel_loop3A_24, %parallel_loop3A_32 : i32
      %parallel_loop3A_34 = arith.extui %parallel_loop3A_33 : i1 to i32
      %parallel_loop3A_35 = arith.constant 0 : i32
      %parallel_loop3A_36 = arith.cmpi slt, %parallel_loop3A_24, %parallel_loop3A_35 : i32
      %parallel_loop3A_37 = arith.extui %parallel_loop3A_36 : i1 to i32
      %parallel_loop3A_38 = arith.subi %parallel_loop3A_34, %parallel_loop3A_37 : i32
      %parallel_loop3A_39 = arith.constant 0 : i32
      %parallel_loop3A_40 = arith.cmpi sgt, %parallel_loop3A_30, %parallel_loop3A_39 : i32
      %parallel_loop3A_41 = arith.extui %parallel_loop3A_40 : i1 to i32
      %parallel_loop3A_42 = arith.constant 0 : i32
      %parallel_loop3A_43 = arith.cmpi slt, %parallel_loop3A_30, %parallel_loop3A_42 : i32
      %parallel_loop3A_44 = arith.extui %parallel_loop3A_43 : i1 to i32
      %parallel_loop3A_45 = arith.subi %parallel_loop3A_41, %parallel_loop3A_44 : i32
      %parallel_loop3A_46 = arith.cmpi ne, %parallel_loop3A_38, %parallel_loop3A_45 : i32
      %parallel_loop3A_47 = arith.remsi %parallel_loop3A_24, %parallel_loop3A_30 : i32
      %parallel_loop3A_48 = arith.constant 0 : i32
      %parallel_loop3A_49 = arith.cmpi ne, %parallel_loop3A_47, %parallel_loop3A_48 : i32
      %parallel_loop3A_50 = arith.andi %parallel_loop3A_46, %parallel_loop3A_49 : i1
      %parallel_loop3A_51 = arith.constant 1 : i32
      %parallel_loop3A_52 = arith.subi %parallel_loop3A_31, %parallel_loop3A_51 : i32
      %parallel_loop3A_53 = arith.select %parallel_loop3A_50, %parallel_loop3A_52, %parallel_loop3A_31 : i32
      %parallel_loop3A_54 = arith.constant 128 : i32
      %parallel_loop3A_55 = arith.muli %parallel_loop3A_54, %parallel_loop3A_53 : i32
      %parallel_loop3A_56 = arith.addi %parallel_loop3A_29, %parallel_loop3A_55 : i32
      %parallel_loop3A_57 = arith.constant 128 : i32
      %parallel_loop3A_58 = arith.addi %parallel_loop3A_56, %parallel_loop3A_57 : i32
      %parallel_loop3A_59 = arith.index_cast %parallel_loop3A_58 : i32 to index
      %parallel_loop3A_60 = tpu.vector_load %arg5[%parallel_loop3A_59] {strides = array<i32>} : memref<2048xf32, #tpu.memory_space<vmem>>, vector<16xf32>,
      %parallel_loop3A_61 = arith.constant 16 : i32
      %parallel_loop3A_62 = arith.muli %parallel_loop3A_24, %parallel_loop3A_61 : i32
      %parallel_loop3A_63 = arith.index_cast %parallel_loop3A_62 : i32 to index
      %parallel_loop3A_64 = tpu.vector_load %arg6[%parallel_loop3A_63] {strides = array<i32>} : memref<1024xi32, #tpu.memory_space<vmem>>, vector<16xi32>,
      %parallel_loop3A_65 = arith.sitofp %parallel_loop3A_64 : vector<16xi32> to vector<16xf32>
      %parallel_loop3A_66 = arith.addf %parallel_loop3A_25, %parallel_loop3A_60 : vector<16xf32>
      %parallel_loop3A_67 = arith.mulf %parallel_loop3A_60, %parallel_loop3A_65 : vector<16xf32>
      %parallel_loop3A_68 = arith.addf %parallel_loop3A_26, %parallel_loop3A_67 : vector<16xf32>
      %parallel_loop3A_69 = arith.addf %parallel_loop3A_27, %parallel_loop3A_65 : vector<16xf32>
      scf.yield %parallel_loop3A_66, %parallel_loop3A_68, %parallel_loop3A_69 : vector<16xf32>, vector<16xf32>, vector<16xf32>
    } {sc.loop_unroll_factor = 4 : i64, sc.parallel_access}
    %swap3A = arith.constant 0 : index
    %swap3A_13 = tpu.vector_load %arg7[%swap3A] {strides = array<i32>} : memref<48xf32, #tpu.memory_space<vmem>>, vector<16xf32>,
    tpu.vector_store %arg7[%swap3A], %parallel_loop3A_12#0 {strides = array<i32>} : memref<48xf32, #tpu.memory_space<vmem>>, vector<16xf32>,
    %swap3A_14 = arith.constant 16 : index
    %swap3A_15 = tpu.vector_load %arg7[%swap3A_14] {strides = array<i32>} : memref<48xf32, #tpu.memory_space<vmem>>, vector<16xf32>,
    tpu.vector_store %arg7[%swap3A_14], %parallel_loop3A_12#1 {strides = array<i32>} : memref<48xf32, #tpu.memory_space<vmem>>, vector<16xf32>,
    %swap3A_16 = arith.constant 32 : index
    %swap3A_17 = tpu.vector_load %arg7[%swap3A_16] {strides = array<i32>} : memref<48xf32, #tpu.memory_space<vmem>>, vector<16xf32>,
    tpu.vector_store %arg7[%swap3A_16], %parallel_loop3A_12#2 {strides = array<i32>} : memref<48xf32, #tpu.memory_space<vmem>>, vector<16xf32>,
    %mul3A_18 = arith.constant 3 : i32
    %mul3A_19 = arith.muli %arg1, %mul3A_18 : i32
    %mul3A_20 = arith.constant 16 : i32
    %mul3A_21 = arith.muli %mul3A_19, %mul3A_20 : i32
    "tpu.region"() ({
      %run_scoped3A = tpu.sem_alloc : memref<!tpu.dma_semaphore, #tpu.memory_space<semaphore_mem>>
      %dma_start3A_24 = tpu.memref_slice %arg9[%mul3A_21] : memref<768xf32, #tpu.memory_space<vmem_shared>> -> memref<48xf32, #tpu.memory_space<vmem_shared>>
      %dma_start3A_25 = tpu.memref_slice %arg9[%mul3A_21] : memref<768xf32, #tpu.memory_space<vmem_shared>> -> memref<48xf32, #tpu.memory_space<vmem_shared>>
      tpu.enqueue_dma source(%arg7 : memref<48xf32, #tpu.memory_space<vmem>>) target(%dma_start3A_25 : memref<48xf32, #tpu.memory_space<vmem_shared>>) target_semaphore(%run_scoped3A : memref<!tpu.dma_semaphore, #tpu.memory_space<semaphore_mem>>)
      %dma_wait3A_26 = tpu.memref_slice %arg9[%mul3A_21] : memref<768xf32, #tpu.memory_space<vmem_shared>> -> memref<48xf32, #tpu.memory_space<vmem_shared>>
      %dma_wait3A_27 = tpu.memref_slice %arg9[%mul3A_21] : memref<768xf32, #tpu.memory_space<vmem_shared>> -> memref<48xf32, #tpu.memory_space<vmem_shared>>
      tpu.wait_dma2 semaphore(%run_scoped3A : memref<!tpu.dma_semaphore, #tpu.memory_space<semaphore_mem>>) src(%arg7 : memref<48xf32, #tpu.memory_space<vmem>>) dst(%dma_wait3A_27 : memref<48xf32, #tpu.memory_space<vmem_shared>>)
      tpu.yield
    }) : () -> ()
    %barrier3A = arith.constant 0 : index
    tpu.barrier barrier_id(%barrier3A)
    %eq3A = arith.constant 0 : i32
    %eq3A_22 = arith.cmpi eq, %arg1, %eq3A : i32
    %convert_element_type3A = arith.extui %eq3A_22 : i1 to i32
    %cond3A = arith.constant 0 : i32
    %cond3A_23 = arith.cmpi ne, %convert_element_type3A, %cond3A : i32
    scf.if %cond3A_23 {
      "tpu.region"() ({
        %run_scoped3A = tpu.sem_alloc : memref<!tpu.dma_semaphore, #tpu.memory_space<semaphore_mem>>
        tpu.enqueue_dma source(%arg9 : memref<768xf32, #tpu.memory_space<vmem_shared>>) target(%arg8 : memref<768xf32, #tpu.memory_space<vmem>>) target_semaphore(%run_scoped3A : memref<!tpu.dma_semaphore, #tpu.memory_space<semaphore_mem>>)
        tpu.wait_dma2 semaphore(%run_scoped3A : memref<!tpu.dma_semaphore, #tpu.memory_space<semaphore_mem>>) src(%arg9 : memref<768xf32, #tpu.memory_space<vmem_shared>>) dst(%arg8 : memref<768xf32, #tpu.memory_space<vmem>>)
        tpu.yield
      }) : () -> ()
      %scan3A = arith.constant 0 : i32
      %scan3A_24 = arith.constant 16 : i32
      %scan3A_25 = arith.addi %scan3A, %scan3A_24 : i32
      %scan3A_26 = arith.constant 1 : i32
      %scan3A_27:3 = scf.for %scan3A_50 = %scan3A to %scan3A_25 step %scan3A_26 iter_args(%scan3A_51 = %broadcast_in_dim3A_9, %scan3A_52 = %broadcast_in_dim3A_9, %scan3A_53 = %broadcast_in_dim3A_9) -> (vector<16xf32>, vector<16xf32>, vector<16xf32>)  : i32 {
        %mul3A_54 = arith.constant 3 : i32
        %mul3A_55 = arith.muli %scan3A_50, %mul3A_54 : i32
        %mul3A_56 = arith.constant 16 : i32
        %mul3A_57 = arith.muli %mul3A_55, %mul3A_56 : i32
        %get3A = arith.index_cast %mul3A_57 : i32 to index
        %get3A_58 = tpu.vector_load %arg8[%get3A] {strides = array<i32>} : memref<768xf32, #tpu.memory_space<vmem>>, vector<16xf32>,
        %add3A = arith.addf %scan3A_51, %get3A_58 : vector<16xf32>
        %add3A_59 = arith.constant 16 : i32
        %add3A_60 = arith.addi %mul3A_57, %add3A_59 : i32
        %get3A_61 = arith.index_cast %add3A_60 : i32 to index
        %get3A_62 = tpu.vector_load %arg8[%get3A_61] {strides = array<i32>} : memref<768xf32, #tpu.memory_space<vmem>>, vector<16xf32>,
        %add3A_63 = arith.addf %scan3A_52, %get3A_62 : vector<16xf32>
        %add3A_64 = arith.constant 32 : i32
        %add3A_65 = arith.addi %mul3A_57, %add3A_64 : i32
        %get3A_66 = arith.index_cast %add3A_65 : i32 to index
        %get3A_67 = tpu.vector_load %arg8[%get3A_66] {strides = array<i32>} : memref<768xf32, #tpu.memory_space<vmem>>, vector<16xf32>,
        %add3A_68 = arith.addf %scan3A_53, %get3A_67 : vector<16xf32>
        scf.yield %add3A, %add3A_63, %add3A_68 : vector<16xf32>, vector<16xf32>, vector<16xf32>
      }
      %scan3A_28 = arith.constant 16 : i32
      %reduce_sum3A = arith.constant true
      %reduce_sum3A_29 = vector.broadcast %reduce_sum3A : i1 to vector<16xi1>
      %reduce_sum3A_30 = tpu.scan <sum>, %scan3A_27#0 masked %reduce_sum3A_29 : vector<16xf32>, vector<16xi1> -> vector<16xf32>
      %reduce_sum3A_31 = vector.extract %reduce_sum3A_30[15] : f32 from vector<16xf32>
      %broadcast_in_dim3A_32 = vector.broadcast %reduce_sum3A_31 : f32 to vector<16xf32>
      %reduce_sum3A_33 = arith.constant true
      %reduce_sum3A_34 = vector.broadcast %reduce_sum3A_33 : i1 to vector<16xi1>
      %reduce_sum3A_35 = tpu.scan <sum>, %scan3A_27#1 masked %reduce_sum3A_34 : vector<16xf32>, vector<16xi1> -> vector<16xf32>
      %reduce_sum3A_36 = vector.extract %reduce_sum3A_35[15] : f32 from vector<16xf32>
      %broadcast_in_dim3A_37 = vector.broadcast %reduce_sum3A_36 : f32 to vector<16xf32>
      %reduce_sum3A_38 = arith.constant true
      %reduce_sum3A_39 = vector.broadcast %reduce_sum3A_38 : i1 to vector<16xi1>
      %reduce_sum3A_40 = tpu.scan <sum>, %scan3A_27#2 masked %reduce_sum3A_39 : vector<16xf32>, vector<16xi1> -> vector<16xf32>
      %reduce_sum3A_41 = vector.extract %reduce_sum3A_40[15] : f32 from vector<16xf32>
      %broadcast_in_dim3A_42 = vector.broadcast %reduce_sum3A_41 : f32 to vector<16xf32>
      %div3A = arith.divf %broadcast_in_dim3A_37, %broadcast_in_dim3A_42 : vector<16xf32>
      %sub3A = arith.subf %broadcast_in_dim3A_32, %broadcast_in_dim3A_37 : vector<16xf32>
      %sub3A_43 = arith.constant 1.638400e+04 : f32
      %sub3A_44 = vector.broadcast %sub3A_43 : f32 to vector<16xf32>
      %sub3A_45 = arith.subf %sub3A_44, %broadcast_in_dim3A_42 : vector<16xf32>
      %div3A_46 = arith.divf %sub3A, %sub3A_45 : vector<16xf32>
      %sub3A_47 = arith.subf %div3A_46, %div3A : vector<16xf32>
      %abs3A = math.absf %sub3A_47 : vector<16xf32>
      %swap3A_48 = arith.constant 0 : index
      %swap3A_49 = tpu.vector_load %arg10[%swap3A_48] {strides = array<i32>} : memref<16xf32, #tpu.memory_space<vmem>>, vector<16xf32>,
      tpu.vector_store %arg10[%swap3A_48], %abs3A {strides = array<i32>} : memref<16xf32, #tpu.memory_space<vmem>>, vector<16xf32>,
      "tpu.region"() ({
        %run_scoped3A = tpu.sem_alloc : memref<!tpu.dma_semaphore, #tpu.memory_space<semaphore_mem>>
        tpu.enqueue_dma source(%arg10 : memref<16xf32, #tpu.memory_space<vmem>>) target(%arg4 : memref<16xf32, #tpu.memory_space<hbm>>) target_semaphore(%run_scoped3A : memref<!tpu.dma_semaphore, #tpu.memory_space<semaphore_mem>>)
        tpu.wait_dma2 semaphore(%run_scoped3A : memref<!tpu.dma_semaphore, #tpu.memory_space<semaphore_mem>>) src(%arg10 : memref<16xf32, #tpu.memory_space<vmem>>) dst(%arg4 : memref<16xf32, #tpu.memory_space<hbm>>)
        tpu.yield
      }) : () -> ()
    } else {
    }
    return
  }
}

</mosaic_0001>

<sc_bundles>
// kernel: kernel.3.cloned.1.call-start
scs
__scs_entry_jumppad:
0x0: {  	(pc) =	sbr.rel $0x88, $3  }
0x1: {  	(tag) =	ssettag $0x0;
	lr =	simm.s32 $0x1  }
0x2: {  	[smem:$0x3F9F] =	sst lr;
	_ =	strace $0xD0000000  }
0x3: {  	_ = 	snop  }
0x4: {  	_ = 	snop  }
0x5: {  	_ = 	snop  }
0x6: {  	_ = 	snop  }
0x7: {  	_ = 	snop  }
__scs_overlays_trampoline_lowered:
0x8: {  	[smem:$0x3FAE] =	sst s0  }
0x9: {  	[smem:$0x3FAF] =	sst s1  }
0xa: {  	[smem:$0x3FB0] =	sst s2  }
0xb: {  	[smem:$0x3FB1] =	sst s3  }
0xc: {  	[smem:$0x3FB2] =	sst s4  }
0xd: {  	[smem:$0x3FB3] =	sst s5  }
0xe: {  	[smem:$0x3FB4] =	sst s6  }
0xf: {  	[smem:$0x3FB5] =	sst s7  }
0x10: {  	[smem:$0x3FB6] =	sst s8  }
0x11: {  	[smem:$0x3FB7] =	sst s9;
	s0 =	simm.s32 @!p0 $0x0  }
0x12: {  	s1 =	sld [smem:$0x3F9D];
	s0 =	simm.s32 @p0 $0x1  }
0x13: {  	[smem:$0x3FB8] =	sst s0;
	s0 =	simm.s32 @!p1 $0x0  }
0x14: {  	s2 =	sld [smem:$0x3F9C];
	s0 =	simm.s32 @p1 $0x1  }
0x15: {  	[smem:$0x3FB9] =	sst s0;
	s0 =	simm.s32 @!p2 $0x0  }
0x16: {  	s3 =	sld [smem:$0x3FDB];
	s0 =	simm.s32 @p2 $0x1  }
0x17: {  	s4 =	simm.s32 $0x1BF5;
	[smem:$0x3FBB] =	sst s0  }
0x18: {  	s0 =	sld [smem:$0x3F9E];
	_ =	swait.ge [sflag:s4], $0x0  }
0x19: {  	s7 =	sld [smem:$0x3F9F]  }
0x1a: {  	s8 =	sadd.s32 $0xFFFFE003, lr  }
0x1b: {  	s9 =	sadd.s32 $0xFFFFFEF7, lr;
	s5 =	simm.s32 $0xFFFFFFFF;
	p2 =	slt.u32 s8, $0xFFFFF086  }
0x1c: {  	p1 =	slt.u32 s9, $0xF7A;
	s5 =	simm.s32 @!p2 $0x0  }
0x1d: {  	s5 =	simm.s32 @p1 $0x1;
	p0 =	seq.s32 s7, s2  }
0x1e: {  	s7 =	smul.u32 @!p0 $0xF7A, s2;
	p2 =	seq.s32 @!p0 s5, $0x0  }
0x1f: {  	s9 =	smul.u32 $0xF7A, s1;
	s8 =	simm.s32 @!p0 $0x1BF5;
	p2 =	por !p2, p0  }
0x20: {  	[sflag:s8] =	ssyncset.s32 @!p0 $0xFFFFF086;
	s6 =	sadd.s32 @!p0 s3, s7;
	s7 =	simm.s32 @!p0 $0x108  }
0x21: {  	s3 =	sadd.s32 s3, s9;
	s6 =	sadd.s32 @!p0 $0x88, s6;
	s7 =	simm.s32 @p2 $0x1082  }
0x22: {  	[simem:s7], [sflag:s8] =	dma.local @!p0 [hbm:s6], $0xF7A  }
0x23: {  	s9 =	sor.u32 $0xD0000000, s2;
	s6 =	simm.s32 $0x108;
	_ =	swait.ge @!p0 [sflag:s8], $0x0  }
0x24: {  	s3 =	sadd.s32 $0x88, s3;
	s6 =	simm.s32 @!p1 $0x1082;
	[sflag:s4] =	ssyncset.s32 $0xFFFFF086  }
0x25: {  	[simem:s6], [sflag:s4] =	dma.local [hbm:s3], $0xF7A  }
0x26: {  	[smem:$0x3F9F] =	sst s1;
	(tag) =	ssettag s2;
	_ =	strace s9  }
0x27: {  	s1 =	sld [smem:$0x3FAF]  }
0x28: {  	s2 =	sld [smem:$0x3FB0]  }
0x29: {  	s4 =	sld [smem:$0x3FB2]  }
0x2a: {  	p0 =	seq.s32 s5, $0x0;
	s5 =	sld [smem:$0x3FB3]  }
0x2b: {  	s6 =	sld [smem:$0x3FB4]  }
0x2c: {  	s7 =	sld [smem:$0x3FB5]  }
0x2d: {  	s3 =	simm.s32 $0x108;
	s8 =	sld [smem:$0x3FB6]  }
0x2e: {  	s3 =	simm.s32 @!p0 $0x1082;
	s9 =	sld [smem:$0x3FB7]  }
0x2f: {  	lr =	sadd.s32 s0, s3;
	s0 =	sld [smem:$0x3FAE]  }
0x30: {  	s3 =	sld [smem:$0x3FB1]  }
0x31: {  	[smem:$0x3FBA] =	sst s10  }
0x32: {  	s10 =	sld [smem:$0x3FB8];
	_ =	sdelay $0x3  }
0x33: {  	p0 =	seq.s32 s10, $0x1;
	s10 =	sld [smem:$0x3FBA];
	_ =	sdelay $0x3  }
0x34: {  	[smem:$0x3FBA] =	sst s10  }
0x35: {  	s10 =	sld [smem:$0x3FB9];
	_ =	sdelay $0x3  }
0x36: {  	p1 =	seq.s32 s10, $0x1;
	s10 =	sld [smem:$0x3FBA];
	_ =	sdelay $0x3  }
0x37: {  	[smem:$0x3FBA] =	sst s10  }
0x38: {  	s10 =	sld [smem:$0x3FBB]  }
0x39: {  	_ = 	snop;
	(pc) =	sbr.ind lr, $3  }
0x3a: {  	_ = 	snop  }
0x3b: {  	_ = 	snop  }
0x3c: {  	p2 =	seq.s32 s10, $0x1;
	s10 =	sld [smem:$0x3FBA]  }
0x3d: {  	_ =	shalt  }
0x3e: {  	_ =	shalt  }
0x3f: {  	_ =	shalt  }
0x40: {  	_ =	shalt  }
0x41: {  	_ =	shalt  }
0x42: {  	_ =	shalt  }
0x43: {  	_ =	shalt  }
0x44: {  	_ =	shalt  }
0x45: {  	_ =	shalt  }
0x46: {  	_ =	shalt  }
0x47: {  	_ =	shalt  }
0x48: {  	_ =	shalt  }
0x49: {  	_ =	shalt  }
0x4a: {  	_ =	shalt  }
0x4b: {  	_ =	shalt  }
0x4c: {  	_ =	shalt  }
0x4d: {  	_ =	shalt  }
0x4e: {  	_ =	shalt  }
0x4f: {  	_ =	shalt  }
0x50: {  	_ =	shalt  }
0x51: {  	_ =	shalt  }
0x52: {  	_ =	shalt  }
0x53: {  	_ =	shalt  }
0x54: {  	_ =	shalt  }
0x55: {  	_ =	shalt  }
0x56: {  	_ =	shalt  }
0x57: {  	_ =	shalt  }
0x58: {  	_ =	shalt  }
0x59: {  	_ =	shalt  }
0x5a: {  	_ =	shalt  }
0x5b: {  	_ =	shalt  }
0x5c: {  	_ =	shalt  }
0x5d: {  	_ =	shalt  }
0x5e: {  	_ =	shalt  }
0x5f: {  	_ =	shalt  }
0x60: {  	_ =	shalt  }
0x61: {  	_ =	shalt  }
0x62: {  	_ =	shalt  }
0x63: {  	_ =	shalt  }
0x64: {  	_ =	shalt  }
0x65: {  	_ =	shalt  }
0x66: {  	_ =	shalt  }
0x67: {  	_ =	shalt  }
0x68: {  	_ =	shalt  }
0x69: {  	_ =	shalt  }
0x6a: {  	_ =	shalt  }
0x6b: {  	_ =	shalt  }
0x6c: {  	_ =	shalt  }
0x6d: {  	_ =	shalt  }
0x6e: {  	_ =	shalt  }
0x6f: {  	_ =	shalt  }
0x70: {  	_ =	shalt  }
0x71: {  	_ =	shalt  }
0x72: {  	_ =	shalt  }
0x73: {  	_ =	shalt  }
0x74: {  	_ =	shalt  }
0x75: {  	_ =	shalt  }
0x76: {  	_ =	shalt  }
0x77: {  	_ =	shalt  }
0x78: {  	_ =	shalt  }
0x79: {  	_ =	shalt  }
0x7a: {  	_ =	shalt  }
0x7b: {  	_ =	shalt  }
0x7c: {  	_ =	shalt  }
0x7d: {  	_ =	shalt  }
0x7e: {  	_ =	shalt  }
0x7f: {  	_ =	shalt  }
0x80: {  	_ =	shalt  }
0x81: {  	_ =	shalt  }
0x82: {  	_ =	shalt  }
0x83: {  	_ =	shalt  }
0x84: {  	_ =	shalt  }
0x85: {  	_ =	shalt  }
0x86: {  	_ =	shalt  }
0x87: {  	_ =	shalt  }
.Lfunc_end0:
.L_simem_size_0:
called_computation_lowered:
.L_overlay_start_0:
0x88: {  	s0 =	sld [smem:$0x3FD9]  }
0x89: {  	s1 =	sld [smem:$0x3FFE];
	_ =	sdelay $0x3  }
0x8a: {  	s0 =	sadd.s32 s1, s0  }
0x8b: {  	[smem:$0x3FC6] =	sst s0  }
0x8c: {  	_ = 	snop  }
0x8d: {  	s0 =	sld [smem:$0x3FC9]  }
0x8e: {  	s17 =	sld [smem:$0x3FC8]  }
0x8f: {  	s2 =	sld [smem:$0x3FD0];
	(tm) =	ssettm $0x1  }
0x90: {  	s3 =	sld [smem:$0x3FFB];
	_ =	sdelay $0x3  }
0x91: {  	_ =	strace s3  }
0x92: {  	s3 =	sld [smem:$0x3FFC];
	_ =	sdelay $0x3  }
0x93: {  	_ =	strace s3  }
0x94: {  	s3 =	sld [smem:$0x3FFD];
	_ =	sdelay $0x3  }
0x95: {  	_ =	strace s3  }
0x96: {  	_ =	strace $0x8FFFFFFF  }
0x97: {  	s18 =	sld [smem:$0x3FDB];
	_ =	sdelay $0x1  }
0x98: {  	s4 =	simm.s32 $_scs_section_size  }
0x99: {  	s5 =	simm.s32 $_size__tile_overlayer_lowered;
	s6 =	simm.s32 $_tile_overlayer_lowered  }
0x9a: {  	s21 =	simm.s32 $0x1BFF;
	s20 =	sshll.u32 s6, $0x1;
	s3 =	sadd.s32 s4, s18  }
0x9b: {  	s7 =	simm.s32 $0x0;
	s19 =	sshll.u32 s5, $0x1;
	s5 =	sadd.s32 s20, s3  }
0x9c: {  	[timem:s7], [sflag:s21] =	dma.local [hbm:s5], s19  }
0x9d: {  	_ =	swait.ge [sflag:s21], s19  }
0x9e: {  	s4 =	ssub.s32 $0x0, s19;
	[sflag:s21] =	ssyncset.done $0x0  }
0x9f: {  	[sflag:s21] =	ssyncadd.s32 s4;
	_ =	sdelay $0x1  }
0xa0: {  	s22 =	simm.s32 $0x1B8B  }
0xa1: {  	_ =	swait.ge [sflag:s22], $0x1  }
0xa2: {  	[sflag:s22] =	ssyncset.done $0x0  }
0xa3: {  	s23 =	simm.s32 $0x1B8E;
	[sflag:s22] =	ssyncadd.s32 $0xFFFFFFFF  }
0xa4: {  	s24 =	simm.s32 $execute0_lowered;
	[smem:$0x3FD2] =	sst s23  }
0xa5: {  	s4 =	sshll.u32 s24, $0x1;
	_ =	strace $0x80000046;
	[dreg:$0x1] =	wrdreg $0xFFFFFFFF  }
0xa6: {  	s25 =	simm.s32 $_size_execute0_lowered;
	s3 =	sadd.s32 s3, s4;
	[dreg:$0x0] =	wrdreg $0x0  }
0xa7: {  	s4 =	sshll.u32 s25, $0x1;
	[dreg:$0x2] =	wrdreg s3  }
0xa8: {  	[dreg:$0x3] =	wrdreg s4  }
0xa9: {  	[dreg:$0x4] =	wrdreg $0xC0  }
0xaa: {  	_ =	task [dreg:s7], $0x5FFFF  }
0xab: {  	[dreg:$0x1] =	wrdreg $0xFFFFFFFF  }
0xac: {  	[dreg:$0x0] =	wrdreg $0x60  }
0xad: {  	[dreg:$0x2] =	wrdreg s0  }
0xae: {  	[dreg:$0x3] =	wrdreg s17  }
0xaf: {  	[dreg:$0x4] =	wrdreg s2  }
0xb0: {  	[dreg:$0x5] =	wrdreg $0xF800  }
0xb1: {  	[dreg:$0x6] =	wrdreg $0x9  }
0xb2: {  	_ =	task.clear_ibuf [dreg:s7], $0x7FFFF;
	_ =	strace $0x90000046  }
0xb3: {  	s26 =	simm.s32 $0x9;
	_ =	strace $0x80000048  }
0xb4: {  	_ =	swait.ge [sflag:s26], $0x1  }
0xb5: {  	[sflag:s26] =	ssyncadd.s32 $0xFFFFFFFF  }
0xb6: {  	_ =	strace $0x90000048  }
0xb7: {  	_ =	sfence  }
0xb8: {  	s28 =	sld [smem:$0x0];
	_ =	sdelay $0x1  }
0xb9: {  	s29 =	srdreg.scid  }
0xba: {  	s30 =	sshll.u32 s29, $0xD;
	s31 =	sshrl.u32 s29, $0x2  }
0xbb: {  	s1 =	sand.u32 $0x1, s29;
	s2 =	sand.u32 $0x4000, s30;
	s0 =	sadd.s32 s31, s28  }
0xbc: {  	s1 =	sor.u32 s2, s1;
	s0 =	sshll.u32 s0, $0x11  }
0xbd: {  	s0 =	sor.u32 s0, s1  }
0xbe: {  	s0 =	sadd.s32 $0x8F2B, s0  }
0xbf: {  	[sflag:s0] =	ssyncadd.remote.s32 $0x1  }
0xc0: {  	_ =	sfence.sel $0xFFFF  }
0xc1: {  	[dreg:$0x0] =	wrdreg $0xFFFFFFFF;
	(pc) =	sbr.abs _section_cstart, $3  }
0xc2: {  	[dreg:$0x1] =	wrdreg $0xFFFFFFFF  }
0xc3: {  	_ =	task.clear_ibuf [dreg:s7], $0x2FFFF;
	_ =	strace $0x9FFFFFFF  }
0xc4: {  	(tm) =	ssettm $0x7FFFFFFF  }
0xc5: {  	_ =	shalt  }
tec
execute0_lowered:
.L_overlay_start_1:
0x0: {  	(tag) =	ssettag $0x1  }
0x1: {  	s4 =	rddreg [dreg:$0x0]  }
0x2: {  	s5 =	rddreg [dreg:$0x1]  }
0x3: {  	s1 =	rddreg [dreg:$0x2]  }
0x4: {  	s2 =	rddreg [dreg:$0x3]  }
0x5: {  	s0 =	rddreg [dreg:$0x4];
	s6 =	simm.s32 $0x0;
	s3 =	stileid.u32  }
0x6: {  	[smem:$0x7FF] =	sst s6;
	s7 =	sshll.u32 s3, $0x8  }
0x7: {  	s14 =	sshll.u32 s3, $0x7;
	_ =	strace $0x80000047;
	s4 =	sadd.s32 s4, s7  }
0x8: {  	[tilespmem:s6], [sflag:$0x1] =	stream.linear.gather [hbm4b:s4+s6], $0x800, $0x38;
	[tilespmem:$0x1030] =	vst v63  }
0x9: {  	s16 =	simm.s32 $0x800;
	s17 =	simm.s32 $0x2;
	s15 =	sadd.s32 s5, s14  }
0xa: {  	[tilespmem:s16], [sflag:$0x2] =	stream.linear.gather [hbm4b:s15+s6], $0x400, $0x38;
	[tilespmem:$0x1030] =	vst v63  }
0xb: {  	_ =	swait.ge [sflag:s17], $0x400  }
0xc: {  	[sflag:s17] =	ssyncset.done $0x0  }
0xd: {  	s18 =	simm.s32 $0x1;
	[sflag:s17] =	ssyncadd.s32 $0xFFFFFC00  }
0xe: {  	s19 =	sand.u32 $0x780, s6;
	_ =	swait.ge [sflag:s18], $0x800  }
0xf: {  	s5 =	sadd.s32 $0x0, s19;
	[sflag:s18] =	ssyncset.done $0x0  }
0x10: {  	s20 =	simm.s32 $0x820;
	s5 =	sand.u32 $0x780, s5;
	[sflag:s18] =	ssyncadd.s32 $0xFFFFF800  }
0x11: {  	s5 =	sadd.s32 $0x80, s5;
	s6 =	sand.u32 $0x40, s6;
	v0 =	vld [tilespmem:s20+$0xFFFFFFE0]  }
0x12: {  	s21 =	simm.s32 $0x10;
	s6 =	sor.u32 s6, s5;
	v1 =	vld [tilespmem:s20+$0xFFFFFFF0]  }
0x13: {  	s22 =	sand.u32 $0x50, s21;
	v2 =	vld [tilespmem:s6+$0x0]  }
0x14: {  	s23 =	simm.s32 $0x20;
	s6 =	sor.u32 s22, s5;
	v4 =	vld [tilespmem:s20+$0x0]  }
0x15: {  	s8 =	simm.s32 $0x40;
	s24 =	sand.u32 $0x60, s23;
	v5 =	vld [tilespmem:s6+$0x0]  }
0x16: {  	s9 =	simm.s32 $0x30;
	s10 =	sand.u32 $0x780, s8;
	v8 =	vld [tilespmem:s20+$0x10];
	s6 =	sor.u32 s24, s5;
	v6 =	vcvt.s32.f32 v0  }
0x17: {  	s26 =	sand.u32 $0x70, s9;
	s7 =	simm.s32 $0x860;
	s25 =	sadd.s32 $0x40, s10;
	v10 =	vld [tilespmem:s6+$0x0]  }
0x18: {  	v7 =	vimm.f32 $0.0e+00;
	s4 =	sand.u32 $0x780, s25;
	v12 =	vld [tilespmem:s7+$0xFFFFFFE0];
	s5 =	sor.u32 s26, s5;
	v11 =	vcvt.s32.f32 v1;
	v1 =	vmul.f32 v6, v2  }
0x19: {  	s28 =	sand.u32 $0x40, s8;
	s4 =	sadd.s32 $0x80, s4;
	v0 =	vld [tilespmem:s5+$0x0];
	v2 =	vadd.f32 v2, v7;
	v13 =	vadd.f32 v6, v7  }
0x1a: {  	s29 =	simm.s32 $0x50;
	v3 =	vld [tilespmem:s7+$0xFFFFFFF0];
	s6 =	sor.u32 s28, s4;
	v14 =	vmul.f32 v11, v5;
	v9 =	vadd.f32 v1, v7;
	v7 =	vcvt.s32.f32 v4  }
0x1b: {  	s31 =	simm.s32 $0x60;
	s30 =	sand.u32 $0x50, s29;
	v6 =	vcvt.s32.f32 v8;
	v1 =	vld [tilespmem:s6+$0x0];
	v15 =	vadd.f32 v5, v2  }
0x1c: {  	s9 =	simm.s32 $0x70;
	s10 =	sand.u32 $0x60, s31;
	s8 =	sor.u32 s30, s4;
	v4 =	vld [tilespmem:s7+$0x0];
	v8 =	vadd.f32 v11, v13;
	v9 =	vadd.f32 v14, v9;
	v11 =	vmul.f32 v7, v10  }
0x1d: {  	s5 =	simm.s32 $0x4;
	s6 =	simm.s32 $0x80;
	v5 =	vcvt.s32.f32 v12;
	v2 =	vld [tilespmem:s8+$0x0];
	s8 =	simm.s32 $0x8A0;
	v10 =	vadd.f32 v10, v15  }
.LBB2_1:
0x1e: {  	s11 =	sand.u32 $0x780, s6;
	s5 =	sadd.s32 $0x4, s5;
	s10 =	sor.u32 s10, s4;
	v12 =	vld [tilespmem:s7+$0x10];
	v9 =	vadd.f32 v11, v9;
	v7 =	vadd.f32 v7, v8;
	v8 =	vmul.f32 v6, v0  }
0x1f: {  	s9 =	sand.u32 $0x70, s9;
	s7 =	sadd.s32 s11, s6;
	p0 =	slt.u32 s5, $0x3C;
	v11 =	vcvt.s32.f32 v3;
	v13 =	vld [tilespmem:s10+$0x0];
	v0 =	vadd.f32 v0, v10  }
0x20: {  	s9 =	sor.u32 s9, s4;
	s11 =	smov.u32 s6;
	s7 =	sand.u32 $0x780, s7;
	v10 =	vld [tilespmem:s8+$0xFFFFFFE0];
	v14 =	vmul.f32 v5, v1;
	v8 =	vadd.f32 v8, v9;
	v6 =	vadd.f32 v6, v7  }
.Ltmp0:
0x21: {  	s10 =	sand.u32 $0x40, s6;
	s4 =	sadd.s32 $0x80, s7;
	v9 =	vadd.f32 v1, v0;
	v7 =	vcvt.s32.f32 v4;
	v0 =	vld [tilespmem:s9+$0x0];
	(pc) =	sbr.rel @p0 .LBB2_1-.Ltmp0, $4  }
0x22: {  	s7 =	smov.u32 s8;
	s9 =	sor.u32 s10, s4;
	s10 =	sadd.s32 $0x10, s6;
	v3 =	vld [tilespmem:s8+$0xFFFFFFF0];
	v8 =	vadd.f32 v14, v8;
	v5 =	vadd.f32 v5, v6;
	v14 =	vmul.f32 v11, v2  }
0x23: {  	v1 =	vld [tilespmem:s9+$0x0];
	s9 =	sand.u32 $0x50, s10;
	v15 =	vadd.f32 v2, v9;
	v6 =	vcvt.s32.f32 v12  }
0x24: {  	s6 =	sadd.s32 $0x40, s6;
	s10 =	sadd.s32 $0x20, s11;
	s9 =	sor.u32 s9, s4;
	v4 =	vld [tilespmem:s8+$0x0];
	v9 =	vadd.f32 v14, v8;
	v8 =	vadd.f32 v11, v5;
	v11 =	vmul.f32 v7, v13  }
0x25: {  	s10 =	sand.u32 $0x60, s10;
	s8 =	sadd.s32 $0x40, s8;
	v5 =	vcvt.s32.f32 v10;
	v2 =	vld [tilespmem:s9+$0x0];
	s9 =	sadd.s32 $0x30, s11;
	v10 =	vadd.f32 v13, v15  }
0x26: {  	s5 =	sor.u32 s10, s4;
	v12 =	vld [tilespmem:s7+$0x10];
	v9 =	vadd.f32 v11, v9;
	v49 =	vmul.f32 v6, v0  }
0x27: {  	v7 =	vadd.f32 v7, v8;
	s28 =	sand.u32 $0x70, s9;
	v50 =	vld [tilespmem:s5+$0x0];
	v51 =	vadd.f32 v0, v10  }
0x28: {  	v3 =	vcvt.s32.f32 v3;
	s29 =	sor.u32 s28, s4;
	v52 =	vmul.f32 v5, v1;
	v9 =	vadd.f32 v49, v9  }
0x29: {  	v53 =	vadd.f32 v6, v7;
	v54 =	vld [tilespmem:s29+$0x0];
	v0 =	vadd.f32 v1, v51  }
0x2a: {  	v4 =	vcvt.s32.f32 v4;
	v55 =	vadd.f32 v52, v9;
	v56 =	vmul.f32 v3, v2  }
0x2b: {  	v57 =	vadd.f32 v5, v53;
	v0 =	vadd.f32 v2, v0  }
0x2c: {  	v58 =	vcvt.s32.f32 v12;
	v59 =	vadd.f32 v56, v55;
	v60 =	vmul.f32 v4, v50  }
0x2d: {  	v3 =	vadd.f32 v3, v57;
	v0 =	vadd.f32 v50, v0  }
0x2e: {  	v62 =	vmul.f32 v58, v54;
	v61 =	vadd.f32 v60, v59  }
0x2f: {  	v3 =	vadd.f32 v4, v3;
	v0 =	vadd.f32 v54, v0  }
0x30: {  	s30 =	smul.u32 $0xC0, s3;
	v63 =	vadd.f32 v62, v61  }
0x31: {  	v2 =	vadd.f32 v58, v3;
	[tilespmem:$0xC00] =	vst v0  }
0x32: {  	s4 =	sshrl.u32 s30, $0x2;
	[tilespmem:$0xC10] =	vst v63  }
0x33: {  	s31 =	simm.s32 $0xC00;
	s4 =	sadd.s32 s4, s2;
	[tilespmem:$0xC20] =	vst v2  }
0x34: {  	[spmem:s4] =	stream.linear.scatter [tilespmem:s31], [sflag:$0x3], $0x30, $0x38;
	[tilespmem:$0x1030] =	vst v63  }
0x35: {  	s4 =	simm.s32 $0x3  }
0x36: {  	_ =	swait.ge [sflag:s4], $0x30  }
0x37: {  	[sflag:s4] =	ssyncset.done $0x0  }
0x38: {  	[sflag:s4] =	ssyncadd.s32 $0xFFFFFFD0  }
0x39: {  	p0 =	sne.s32 s3, $0x0;
	[bflag:$0x0] =	sbarrier.arrive $0xFFFF  }
0x3a: {  	_ =	sfence.sel @p0 $0x180000  }
0x3b: {  	[bflag:$0x0] =	sbarrier.arrive @p0 $0xFFFF  }
0x3c: {  	_ =	strace @p0 $0x90000047  }
0x3d: {  	[bflag:$0x2] =	sbarrier.arrive @p0 $0xFFFF  }
0x3e: {  	_ =	shalt @p0  }
.LBB2_3:
0x3f: {  	s3 =	simm.s32 $0xC80  }
0x40: {  	[tilespmem:s3], [sflag:$0x3] =	stream.linear.gather [spmem:s2], $0x300, $0x38;
	[tilespmem:$0x1030] =	vst v63  }
0x41: {  	_ =	swait.ge [sflag:s4], $0x300  }
0x42: {  	[sflag:s4] =	ssyncset.done $0x0  }
0x43: {  	[sflag:s4] =	ssyncadd.s32 $0xFFFFFD00  }
0x44: {  	v0 =	vld [tilespmem:$0xC80]  }
0x45: {  	v1 =	vld [tilespmem:$0xC90]  }
0x46: {  	v2 =	vld [tilespmem:$0xCA0]  }
0x47: {  	v3 =	vld [tilespmem:$0xCB0]  }
0x48: {  	v4 =	vld [tilespmem:$0xCC0]  }
0x49: {  	v5 =	vld [tilespmem:$0xCD0]  }
0x4a: {  	v6 =	vld [tilespmem:$0xCE0]  }
0x4b: {  	v7 =	vld [tilespmem:$0xCF0]  }
0x4c: {  	v8 =	vld [tilespmem:$0xD00]  }
0x4d: {  	v9 =	vld [tilespmem:$0xD10]  }
0x4e: {  	v10 =	vld [tilespmem:$0xD20]  }
0x4f: {  	v11 =	vld [tilespmem:$0xD30]  }
0x50: {  	v12 =	vld [tilespmem:$0xD40]  }
0x51: {  	v13 =	vld [tilespmem:$0xD50]  }
0x52: {  	v14 =	vld [tilespmem:$0xD60]  }
0x53: {  	v15 =	vld [tilespmem:$0xD70]  }
0x54: {  	v16 =	vld [tilespmem:$0xD80]  }
0x55: {  	v17 =	vld [tilespmem:$0xD90]  }
0x56: {  	v18 =	vld [tilespmem:$0xDA0]  }
0x57: {  	v19 =	vld [tilespmem:$0xDB0]  }
0x58: {  	v20 =	vld [tilespmem:$0xDC0];
	v0 =	vadd.f32 $0.0e+00, v0  }
0x59: {  	v21 =	vld [tilespmem:$0xDD0];
	v1 =	vadd.f32 $0.0e+00, v1  }
0x5a: {  	v37 =	vld [tilespmem:$0xDE0];
	v2 =	vadd.f32 $0.0e+00, v2;
	v0 =	vadd.f32 v3, v0  }
0x5b: {  	v38 =	vld [tilespmem:$0xDF0];
	v1 =	vadd.f32 v4, v1  }
0x5c: {  	v39 =	vld [tilespmem:$0xE00];
	v2 =	vadd.f32 v5, v2;
	v0 =	vadd.f32 v6, v0  }
0x5d: {  	v40 =	vld [tilespmem:$0xE10];
	v1 =	vadd.f32 v7, v1  }
0x5e: {  	v41 =	vld [tilespmem:$0xE20];
	v2 =	vadd.f32 v8, v2;
	v0 =	vadd.f32 v9, v0  }
0x5f: {  	v42 =	vld [tilespmem:$0xE30];
	v1 =	vadd.f32 v10, v1  }
0x60: {  	v43 =	vld [tilespmem:$0xE40];
	v2 =	vadd.f32 v11, v2;
	v0 =	vadd.f32 v12, v0  }
0x61: {  	v44 =	vld [tilespmem:$0xE50];
	v1 =	vadd.f32 v13, v1  }
0x62: {  	v45 =	vld [tilespmem:$0xE60];
	v2 =	vadd.f32 v14, v2;
	v0 =	vadd.f32 v15, v0  }
0x63: {  	v46 =	vld [tilespmem:$0xE70];
	v1 =	vadd.f32 v16, v1  }
0x64: {  	v47 =	vld [tilespmem:$0xE80];
	v2 =	vadd.f32 v17, v2;
	v0 =	vadd.f32 v18, v0  }
0x65: {  	v48 =	vld [tilespmem:$0xE90];
	v1 =	vadd.f32 v19, v1  }
0x66: {  	v49 =	vld [tilespmem:$0xEA0];
	v2 =	vadd.f32 v20, v2;
	v0 =	vadd.f32 v21, v0  }
0x67: {  	v50 =	vld [tilespmem:$0xEB0];
	v1 =	vadd.f32 v37, v1  }
0x68: {  	v51 =	vld [tilespmem:$0xEC0];
	v2 =	vadd.f32 v38, v2;
	v0 =	vadd.f32 v39, v0  }
0x69: {  	v52 =	vld [tilespmem:$0xED0];
	v1 =	vadd.f32 v40, v1  }
0x6a: {  	v53 =	vld [tilespmem:$0xEE0];
	v2 =	vadd.f32 v41, v2;
	v0 =	vadd.f32 v42, v0  }
0x6b: {  	v54 =	vld [tilespmem:$0xEF0];
	v1 =	vadd.f32 v43, v1  }
0x6c: {  	v55 =	vld [tilespmem:$0xF00];
	v2 =	vadd.f32 v44, v2;
	v0 =	vadd.f32 v45, v0  }
0x6d: {  	v56 =	vld [tilespmem:$0xF10];
	v1 =	vadd.f32 v46, v1  }
0x6e: {  	v57 =	vld [tilespmem:$0xF20];
	v2 =	vadd.f32 v47, v2;
	v0 =	vadd.f32 v48, v0  }
0x6f: {  	v58 =	vld [tilespmem:$0xF30];
	v1 =	vadd.f32 v49, v1  }
0x70: {  	v59 =	vld [tilespmem:$0xF40];
	v2 =	vadd.f32 v50, v2;
	v0 =	vadd.f32 v51, v0  }
0x71: {  	v60 =	vld [tilespmem:$0xF50];
	v1 =	vadd.f32 v52, v1  }
0x72: {  	v61 =	vld [tilespmem:$0xF60];
	v2 =	vadd.f32 v53, v2;
	v0 =	vadd.f32 v54, v0  }
0x73: {  	v62 =	vld [tilespmem:$0xF70];
	v1 =	vadd.f32 v55, v1  }
0x74: {  	v2 =	vadd.f32 v56, v2;
	v0 =	vadd.f32 v57, v0  }
0x75: {  	v1 =	vadd.f32 v58, v1  }
0x76: {  	v2 =	vadd.f32 v59, v2;
	v0 =	vadd.f32 v60, v0  }
0x77: {  	v1 =	vadd.f32 v61, v1  }
0x78: {  	v2 =	vadd.f32 v62, v2;
	(xrf2) =	vadd.scan.msk.f32 $0xffff, v0  }
0x79: {  	(xrf2) =	vadd.scan.msk.f32 $0xffff, v1  }
0x7a: {  	(xrf2) =	vadd.scan.msk.f32 $0xffff, v2;
	_ =	sdelay $0x7  }
0x7b: {  	v0, _, _ =	vpop (xrf2)  }
0x7c: {  	v1, _, _ =	vpop (xrf2)  }
0x7d: {  	v2, _, _ =	vpop (xrf2)  }
0x7e: {  	v2 =	vbroadcast v2, $0xF;
	_ =	sdelay $0x1  }
0x7f: {  	v63 =	vsub.f32 $1.638400000e+04, v2  }
0x80: {  	(erf) = vrcp.f32 v2  }
0x81: {  	(erf) = vrcp.f32 v63;
	_ =	sdelay $0x5  }
0x82: {  	v0 =	vsub.f32 v0, v1;
	_ =	sdelay $0x1  }
0x83: {  	v1 =	vbroadcast v1, $0xF;
	v0 =	vbroadcast v0, $0xF;
	v2 =	vpop (erf)  }
0x84: {  	v3 =	vpop (erf)  }
0x85: {  	v1 =	vmul.f32 v2, v1;
	v0 =	vmul.f32 v3, v0;
	_ =	sdelay $0x1  }
0x86: {  	v0 =	vsub.f32 v0, v1;
	_ =	sdelay $0x1  }
0x87: {  	v0 =	vand.u32 $0x7FFFFFFF, v0  }
0x88: {  	s30 =	simm.s32 $0x0;
	s31 =	simm.s32 $0xFB0;
	[tilespmem:$0xFB0] =	vst v0  }
0x89: {  	[hbm4b:s1+s30] =	stream.linear.scatter [tilespmem:s31], [sflag:$0x3], $0x80, $0x38;
	[tilespmem:$0x1030] =	vst v63  }
0x8a: {  	_ =	swait.ge [sflag:s4], $0x80  }
0x8b: {  	[sflag:s4] =	ssyncset.done $0x0  }
0x8c: {  	[sflag:s4] =	ssyncadd.s32 $0xFFFFFF80  }
0x8d: {  	_ =	sfence.sel $0x180000  }
0x8e: {  	[bflag:$0x0] =	sbarrier.arrive $0xFFFF  }
0x8f: {  	_ =	strace $0x90000047  }
0x90: {  	s0 =	sadd.s32 $0x100000, s0;
	[bflag:$0x2] =	sbarrier.arrive $0xFFFF  }
0x91: {  	[sflag:s0] =	ssyncadd.tile.s32 $0x1;
	_ =	shalt  }
.Lfunc_end2:
_tile_overlayer_lowered:
.L_overlay_start_2:
0x92: {  	(tag) =	ssettag $0x2  }
0x93: {  	s0 =	rddreg [dreg:$0x0];
	s2 =	stileid.u32  }
0x94: {  	s1 =	rddreg [dreg:$0x1];
	p0 =	sne.s32 s2, $0x0  }
0x95: {  	s3 =	rddreg [dreg:$0x2];
	[bflag:$0x3] =	sbarrier.arrive $0xFFFF;
	s2 =	simm.s32 @!p0 $0x1C03  }
0x96: {  	[timem:s3], [sflag:s2] =	dma.local @!p0 [hbm:s0], s1  }
0x97: {  	s0 =	simm.s32 @!p0 $0x3  }
0x98: {  	_ =	swait.ge @!p0 [sflag:s0], s1  }
0x99: {  	s1 =	ssub.s32 @!p0 $0x0, s1;
	[sflag:s0] =	ssyncset.done @!p0 $0x0  }
0x9a: {  	[sflag:s0] =	ssyncadd.s32 @!p0 s1  }
0x9b: {  	[bflag:$0x3] =	sbarrier.arrive $0xFFFF  }
0x9c: {  	_ =	shalt  }

</sc_bundles>
